<compile_context>
chip_gen: v7x
topology: tpu7x:2x2x1
jax: 0.10.2.dev20260603
libtpu: 0.0.44.dev20260713+nightly
codegen_flags: <defaults>
</compile_context>

<pallas_src>
import functools

import jax
import jax.numpy as jnp
from jax import lax
from jax.experimental import pallas as pl
from jax.experimental.pallas import tpu as pltpu
from jax.experimental.pallas import tpu_sc as plsc

B, S, D_MODEL, D_FEAT = 4, 4096, 2048, 256
TARGET_SNR = 0.3
LN_EPS = 1e-5
BS = 1024


def _sc_gather(x_hbm, idx_hbm, out_hbm, idx_v, rows_v, sem):
    c = lax.axis_index("c")
    s = lax.axis_index("s")
    wid = s * 2 + c

    @pl.when(wid == 0)
    def _():
        pltpu.sync_copy(idx_hbm, idx_v)
        pltpu.async_copy(x_hbm.at[idx_v], rows_v, sem).wait()
        pltpu.sync_copy(rows_v, out_hbm)


def _sc_gather_rows(x2d, idx):
    mesh = plsc.VectorSubcoreMesh(core_axis_name="c", subcore_axis_name="s")
    f = functools.partial(
        pl.kernel,
        out_type=jax.ShapeDtypeStruct((B, D_MODEL), jnp.float32),
        mesh=mesh,
        scratch_types=[
            pltpu.VMEM((B,), jnp.int32),
            pltpu.VMEM((B, D_MODEL), jnp.float32),
            pltpu.SemaphoreType.DMA,
        ],
    )(_sc_gather)
    return f(x2d, idx)


def _body(last_ref, x_ref, host_ref, ff_ref, g_ref, beta_ref, w_ref, bias_ref,
          out_ref):
    b = pl.program_id(0)
    j = pl.program_id(1)
    last = last_ref[b]
    jb = last // BS
    off = lax.rem(last, BS)

    out_ref[...] = x_ref[...]

    @pl.when(j == jb)
    def _():
        ff = ff_ref[0]
        mean = jnp.mean(ff, axis=-1, keepdims=True)
        cent = ff - mean
        var = jnp.mean(cent * cent, axis=-1, keepdims=True)
        ln = cent * lax.rsqrt(var + LN_EPS) * g_ref[...] + beta_ref[...]
        proj = lax.dot_general(ln, w_ref[...], (((1,), (1,)), ((), ())),
                               preferred_element_type=jnp.float32)
        proj = proj + bias_ref[...]
        nrm = jnp.sqrt(jnp.sum(proj * proj, axis=-1, keepdims=True))
        direction = proj / jnp.maximum(nrm, 1e-12)
        host = host_ref[0]
        rms = jnp.sqrt(jnp.mean(host * host, axis=-1, keepdims=True))
        out_ref[0, pl.ds(off, 1), :] = host + direction * (rms * TARGET_SNR)


def kernel(x, faculty_features, ln_gamma, ln_beta, W, b, token_ids,
           last_indices):
    del token_ids
    last = last_indices.astype(jnp.int32)
    idx = jnp.arange(B, dtype=jnp.int32) * S + last
    host_rows = _sc_gather_rows(x.reshape(B * S, D_MODEL), idx)

    grid_spec = pltpu.PrefetchScalarGridSpec(
        num_scalar_prefetch=1,
        grid=(B, S // BS),
        in_specs=[
            pl.BlockSpec((1, BS, D_MODEL), lambda i, j, last_ref: (i, j, 0)),
            pl.BlockSpec((1, 1, D_MODEL), lambda i, j, last_ref: (i, 0, 0)),
            pl.BlockSpec((1, 1, D_FEAT), lambda i, j, last_ref: (i, 0, 0)),
            pl.BlockSpec((1, D_FEAT), lambda i, j, last_ref: (0, 0)),
            pl.BlockSpec((1, D_FEAT), lambda i, j, last_ref: (0, 0)),
            pl.BlockSpec((D_MODEL, D_FEAT), lambda i, j, last_ref: (0, 0)),
            pl.BlockSpec((1, D_MODEL), lambda i, j, last_ref: (0, 0)),
        ],
        out_specs=pl.BlockSpec((1, BS, D_MODEL),
                               lambda i, j, last_ref: (i, j, 0)),
    )

    return pl.pallas_call(
        _body,
        grid_spec=grid_spec,
        out_shape=jax.ShapeDtypeStruct((B, S, D_MODEL), jnp.float32),
    )(last, x, host_rows.reshape(B, 1, D_MODEL),
      faculty_features.reshape(B, 1, D_FEAT), ln_gamma.reshape(1, D_FEAT),
      ln_beta.reshape(1, D_FEAT), W, b.reshape(1, D_MODEL))

# --- scband reference (transcript-rebuilt; emitter-appended) ---
"""Pipeline reference for scband-feature-vector-graft-6914897347048 (READ-ONLY COPY).

The authoritative reference and input builder live on the scoring server;
editing this copy changes nothing except your own understanding.
"""

import jax, jax.numpy as jnp
import numpy as np

B, S, D_MODEL, D_FEAT = 4, 4096, 2048, 256
TARGET_SNR = 0.3
LN_EPS = 1e-5


def setup_inputs(seed: int = 0) -> dict:
    key = jax.random.key(seed)
    k = jax.random.split(key, 6)
    x = jax.random.normal(k[0], (B, S, D_MODEL), dtype=jnp.float32)
    faculty_features = jax.random.normal(k[1], (B, D_FEAT), dtype=jnp.float32)
    token_ids = jax.random.randint(k[2], (B, S), 0, 32000, dtype=jnp.int64) if jax.config.jax_enable_x64 else jax.random.randint(k[2], (B, S), 0, 32000, dtype=jnp.int32)
    last_indices = jax.random.randint(k[3], (B,), 0, S, dtype=jnp.int32)
    ln_gamma = jnp.ones((D_FEAT,), dtype=jnp.float32)
    ln_beta = jnp.zeros((D_FEAT,), dtype=jnp.float32)
    W = jax.random.normal(k[4], (D_MODEL, D_FEAT), dtype=jnp.float32) * 0.02
    b = jnp.zeros((D_MODEL,), dtype=jnp.float32)
    return {
        'x': x,
        'faculty_features': faculty_features,
        'ln_gamma': ln_gamma,
        'ln_beta': ln_beta,
        'W': W,
        'b': b,
        'token_ids': token_ids,
        'last_indices': last_indices,
    }


def reference(x, faculty_features, ln_gamma, ln_beta, W, b, token_ids, last_indices):
    # trigger_ids is empty -> trigger mask is all-True, so every row applies.
    # confidence = inertia = 1.0 (state keys absent).
    # LayerNorm over d_features
    mean = jnp.mean(faculty_features, axis=-1, keepdims=True)
    var = jnp.mean((faculty_features - mean) ** 2, axis=-1, keepdims=True)
    ln = (faculty_features - mean) / jnp.sqrt(var + LN_EPS) * ln_gamma + ln_beta
    # Linear projection to d_model
    proj = ln @ W.T + b
    # F.normalize(dim=-1): x / max(||x||, 1e-12)
    nrm = jnp.sqrt(jnp.sum(proj ** 2, axis=-1, keepdims=True))
    direction = proj / jnp.maximum(nrm, 1e-12)
    rows = jnp.arange(x.shape[0])
    last = last_indices.astype(jnp.int32)
    # gather host residual at last token position per row
    host_at_last = x[rows, last]  # [B, d_model]
    # host_rms uses .detach() in torch -> stop_gradient here
    rms = jnp.sqrt(jnp.mean(jax.lax.stop_gradient(host_at_last) ** 2, axis=-1, keepdims=True))
    magnitude = rms * TARGET_SNR * 1.0 * 1.0
    # scatter-add of direction*magnitude into a clone of x
    out = x.at[rows, last].add(direction * magnitude)
    return out

if __name__ == "__main__":
    import jax
    _d = setup_inputs()
    print(jax.jit(kernel)(*tuple(_d.values())))

</pallas_src>

<mosaic_0001>
#map = affine_map<(d0, d1) -> (0, 0)>
#map1 = affine_map<(d0, d1) -> (0)>
module attributes {stable_mosaic.version = 14 : i64} {
  func.func @_sc_gather(%arg0: i32, %arg1: i32, %arg2: memref<16384x2048xf32, #tpu.memory_space<hbm>>, %arg3: memref<4xi32, #tpu.memory_space<hbm>>, %arg4: memref<4x2048xf32, #tpu.memory_space<hbm>>, %arg5: memref<4xi32, #tpu.memory_space<vmem>>, %arg6: memref<4x2048xf32, #tpu.memory_space<vmem>>, %arg7: memref<!tpu.dma_semaphore, #tpu.memory_space<semaphore_mem>>) attributes {dimension_semantics = [#tpu.dimension_semantics<core_parallel>, #tpu.dimension_semantics<subcore_parallel>], iteration_bounds = array<i64: 2, 16>, scalar_prefetch = 0 : i64, scratch_operands = 3 : i64, tpu.core_type = #tpu.core_type<sc_vector_subcore>, window_params = [{transform_indices = #map}, {transform_indices = #map1}, {transform_indices = #map}]} {
    %mul3A = arith.constant 2 : i32
    %mul3A_0 = arith.muli %arg1, %mul3A : i32
    %add3A = arith.addi %mul3A_0, %arg0 : i32
    %eq3A = arith.constant 0 : i32
    %eq3A_1 = arith.cmpi eq, %add3A, %eq3A : i32
    %convert_element_type3A = arith.extui %eq3A_1 : i1 to i32
    %cond3A = arith.constant 0 : i32
    %cond3A_2 = arith.cmpi ne, %convert_element_type3A, %cond3A : i32
    scf.if %cond3A_2 {
      "tpu.region"() ({
        %run_scoped3A = tpu.sem_alloc : memref<!tpu.dma_semaphore, #tpu.memory_space<semaphore_mem>>
        tpu.enqueue_dma source(%arg3 : memref<4xi32, #tpu.memory_space<hbm>>) target(%arg5 : memref<4xi32, #tpu.memory_space<vmem>>) target_semaphore(%run_scoped3A : memref<!tpu.dma_semaphore, #tpu.memory_space<semaphore_mem>>)
        tpu.wait_dma2 semaphore(%run_scoped3A : memref<!tpu.dma_semaphore, #tpu.memory_space<semaphore_mem>>) src(%arg3 : memref<4xi32, #tpu.memory_space<hbm>>) dst(%arg5 : memref<4xi32, #tpu.memory_space<vmem>>)
        tpu.yield
      }) : () -> ()
      %dma_start3A = arith.constant 0 : i32
      %dma_start3A_3 = arith.constant 0 : i32
      %dma_start3A_4 = tpu.memref_slice %arg2[%dma_start3A, %dma_start3A_3] : memref<16384x2048xf32, #tpu.memory_space<hbm>> -> memref<16384x2048xf32, #tpu.memory_space<hbm>>
      tpu.enqueue_indirect_dma source(%dma_start3A_4 : memref<16384x2048xf32, #tpu.memory_space<hbm>>) target(%arg6 : memref<4x2048xf32, #tpu.memory_space<vmem>>) offsets(%arg5 : memref<4xi32, #tpu.memory_space<vmem>>) semaphore(%arg7 : memref<!tpu.dma_semaphore, #tpu.memory_space<semaphore_mem>>)
      %dma_wait3A = arith.constant 0 : i32
      %dma_wait3A_5 = arith.constant 0 : i32
      %dma_wait3A_6 = tpu.memref_slice %arg2[%dma_wait3A, %dma_wait3A_5] : memref<16384x2048xf32, #tpu.memory_space<hbm>> -> memref<16384x2048xf32, #tpu.memory_space<hbm>>
      tpu.wait_indirect_dma semaphore(%arg7 : memref<!tpu.dma_semaphore, #tpu.memory_space<semaphore_mem>>) src(%dma_wait3A_6 : memref<16384x2048xf32, #tpu.memory_space<hbm>>) dst(%arg6 : memref<4x2048xf32, #tpu.memory_space<vmem>>)
      "tpu.region"() ({
        %run_scoped3A = tpu.sem_alloc : memref<!tpu.dma_semaphore, #tpu.memory_space<semaphore_mem>>
        tpu.enqueue_dma source(%arg6 : memref<4x2048xf32, #tpu.memory_space<vmem>>) target(%arg4 : memref<4x2048xf32, #tpu.memory_space<hbm>>) target_semaphore(%run_scoped3A : memref<!tpu.dma_semaphore, #tpu.memory_space<semaphore_mem>>)
        tpu.wait_dma2 semaphore(%run_scoped3A : memref<!tpu.dma_semaphore, #tpu.memory_space<semaphore_mem>>) src(%arg6 : memref<4x2048xf32, #tpu.memory_space<vmem>>) dst(%arg4 : memref<4x2048xf32, #tpu.memory_space<hbm>>)
        tpu.yield
      }) : () -> ()
    } else {
    }
    return
  }
}

module attributes {stable_mosaic.version = 14 : i64} {
  func.func @_body(%arg0: i32, %arg1: i32, %arg2: memref<4xi32, #tpu.memory_space<smem>>, %arg3: memref<1x1024x2048xf32, #tpu.memory_space<vmem>>, %arg4: memref<1x1x2048xf32, #tpu.memory_space<vmem>>, %arg5: memref<1x1x256xf32, #tpu.memory_space<vmem>>, %arg6: memref<1x256xf32, #tpu.memory_space<vmem>>, %arg7: memref<1x256xf32, #tpu.memory_space<vmem>>, %arg8: memref<2048x256xf32, #tpu.memory_space<vmem>>, %arg9: memref<1x2048xf32, #tpu.memory_space<vmem>>, %arg10: memref<1x1024x2048xf32, #tpu.memory_space<vmem>>) attributes {dimension_semantics = [#tpu.dimension_semantics<arbitrary>, #tpu.dimension_semantics<arbitrary>], iteration_bounds = array<i64: 4, 4>, scalar_prefetch = 1 : i64, scratch_operands = 0 : i64, tpu.core_type = #tpu.core_type<tc>, window_params = [{transform_indices = @transform_0, window_bounds = array<i64: 1, 1024, 2048>}, {transform_indices = @transform_1, window_bounds = array<i64: 1, 1, 2048>}, {transform_indices = @transform_2, window_bounds = array<i64: 1, 1, 256>}, {pipeline_mode = #tpu.pipeline_mode<synchronous>, transform_indices = @transform_3, window_bounds = array<i64: 1, 256>}, {pipeline_mode = #tpu.pipeline_mode<synchronous>, transform_indices = @transform_4, window_bounds = array<i64: 1, 256>}, {pipeline_mode = #tpu.pipeline_mode<synchronous>, transform_indices = @transform_5, window_bounds = array<i64: 2048, 256>}, {pipeline_mode = #tpu.pipeline_mode<synchronous>, transform_indices = @transform_6, window_bounds = array<i64: 1, 2048>}, {transform_indices = @transform_7, window_bounds = array<i64: 1, 1024, 2048>}]} {
    %get3A = arith.index_cast %arg0 : i32 to index
    %get3A_0 = memref.load %arg2[%get3A] : memref<4xi32, #tpu.memory_space<smem>>
    %jit3A = arith.constant 1024 : i32
    %div3A = arith.divsi %get3A_0, %jit3A : i32
    %sign3A = arith.constant 0 : i32
    %sign3A_1 = arith.cmpi sgt, %get3A_0, %sign3A : i32
    %sign3A_2 = arith.extui %sign3A_1 : i1 to i32
    %sign3A_3 = arith.constant 0 : i32
    %sign3A_4 = arith.cmpi slt, %get3A_0, %sign3A_3 : i32
    %sign3A_5 = arith.extui %sign3A_4 : i1 to i32
    %sign3A_6 = arith.subi %sign3A_2, %sign3A_5 : i32
    %sign3A_7 = arith.constant 0 : i32
    %sign3A_8 = arith.cmpi sgt, %jit3A, %sign3A_7 : i32
    %sign3A_9 = arith.extui %sign3A_8 : i1 to i32
    %sign3A_10 = arith.constant 0 : i32
    %sign3A_11 = arith.cmpi slt, %jit3A, %sign3A_10 : i32
    %sign3A_12 = arith.extui %sign3A_11 : i1 to i32
    %sign3A_13 = arith.subi %sign3A_9, %sign3A_12 : i32
    %ne3A = arith.cmpi ne, %sign3A_6, %sign3A_13 : i32
    %rem3A = arith.remsi %get3A_0, %jit3A : i32
    %ne3A_14 = arith.constant 0 : i32
    %ne3A_15 = arith.cmpi ne, %rem3A, %ne3A_14 : i32
    %and3A = arith.andi %ne3A, %ne3A_15 : i1
    %sub3A = arith.constant 1 : i32
    %sub3A_16 = arith.subi %div3A, %sub3A : i32
    %select_n3A = arith.select %and3A, %sub3A_16, %div3A : i32
    %rem3A_17 = arith.constant 1024 : i32
    %rem3A_18 = arith.remsi %get3A_0, %rem3A_17 : i32
    %get3A_19 = arith.constant 0 : index
    %get3A_20 = arith.constant 0 : index
    %get3A_21 = arith.constant 0 : index
    %get3A_22 = vector.load %arg3[%get3A_19, %get3A_20, %get3A_21] : memref<1x1024x2048xf32, #tpu.memory_space<vmem>>, vector<1x1024x2048xf32>
    %swap3A = arith.constant 0 : index
    %swap3A_23 = arith.constant 0 : index
    %swap3A_24 = arith.constant 0 : index
    %swap3A_25 = vector.load %arg10[%swap3A, %swap3A_23, %swap3A_24] : memref<1x1024x2048xf32, #tpu.memory_space<vmem>>, vector<1x1024x2048xf32>
    tpu.vector_store %arg10[%swap3A, %swap3A_23, %swap3A_24], %get3A_22 {strides = array<i32>} : memref<1x1024x2048xf32, #tpu.memory_space<vmem>>, vector<1x1024x2048xf32>,
    %eq3A = arith.cmpi eq, %arg1, %select_n3A : i32
    %convert_element_type3A = arith.extui %eq3A : i1 to i32
    %cond3A = arith.constant 0 : i32
    %cond3A_26 = arith.cmpi ne, %convert_element_type3A, %cond3A : i32
    scf.if %cond3A_26 {
      %get3A_27 = arith.constant 0 : index
      %get3A_28 = arith.constant 0 : index
      %get3A_29 = arith.constant 0 : index
      %get3A_30 = vector.load %arg5[%get3A_27, %get3A_28, %get3A_29] : memref<1x1x256xf32, #tpu.memory_space<vmem>>, vector<1x1x256xf32>
      %get3A_31 = vector.shape_cast %get3A_30 : vector<1x1x256xf32> to vector<1x256xf32>
      %reduce_sum3A = arith.constant dense<0.000000e+00> : vector<1xf32>
      %reduce_sum3A_32 = vector.multi_reduction <add>, %get3A_31, %reduce_sum3A [1] : vector<1x256xf32> to vector<1xf32>
      %broadcast_in_dim3A = vector.shape_cast %reduce_sum3A_32 : vector<1xf32> to vector<1x1xf32>
      %div3A_33 = arith.constant 2.560000e+02 : f32
      %div3A_34 = vector.broadcast %div3A_33 : f32 to vector<1x1xf32>
      %div3A_35 = arith.divf %broadcast_in_dim3A, %div3A_34 : vector<1x1xf32>
      %sub3A_36 = vector.broadcast %div3A_35 : vector<1x1xf32> to vector<1x256xf32>
      %sub3A_37 = arith.subf %get3A_31, %sub3A_36 : vector<1x256xf32>
      %mul3A = arith.mulf %sub3A_37, %sub3A_37 : vector<1x256xf32>
      %reduce_sum3A_38 = arith.constant dense<0.000000e+00> : vector<1xf32>
      %reduce_sum3A_39 = vector.multi_reduction <add>, %mul3A, %reduce_sum3A_38 [1] : vector<1x256xf32> to vector<1xf32>
      %broadcast_in_dim3A_40 = vector.shape_cast %reduce_sum3A_39 : vector<1xf32> to vector<1x1xf32>
      %div3A_41 = arith.constant 2.560000e+02 : f32
      %div3A_42 = vector.broadcast %div3A_41 : f32 to vector<1x1xf32>
      %div3A_43 = arith.divf %broadcast_in_dim3A_40, %div3A_42 : vector<1x1xf32>
      %add3A = arith.constant 9.99999974E-6 : f32
      %add3A_44 = vector.broadcast %add3A : f32 to vector<1x1xf32>
      %add3A_45 = arith.addf %div3A_43, %add3A_44 : vector<1x1xf32>
      %rsqrt3A = math.rsqrt %add3A_45 : vector<1x1xf32>
      %mul3A_46 = vector.broadcast %rsqrt3A : vector<1x1xf32> to vector<1x256xf32>
      %mul3A_47 = arith.mulf %sub3A_37, %mul3A_46 : vector<1x256xf32>
      %get3A_48 = arith.constant 0 : index
      %get3A_49 = arith.constant 0 : index
      %get3A_50 = vector.load %arg6[%get3A_48, %get3A_49] : memref<1x256xf32, #tpu.memory_space<vmem>>, vector<1x256xf32>
      %mul3A_51 = arith.mulf %mul3A_47, %get3A_50 : vector<1x256xf32>
      %get3A_52 = arith.constant 0 : index
      %get3A_53 = arith.constant 0 : index
      %get3A_54 = vector.load %arg7[%get3A_52, %get3A_53] : memref<1x256xf32, #tpu.memory_space<vmem>>, vector<1x256xf32>
      %add3A_55 = arith.addf %mul3A_51, %get3A_54 : vector<1x256xf32>
      %get3A_56 = arith.constant 0 : index
      %get3A_57 = arith.constant 0 : index
      %get3A_58 = vector.load %arg8[%get3A_56, %get3A_57] : memref<2048x256xf32, #tpu.memory_space<vmem>>, vector<2048x256xf32>
      %dot_general3A = arith.constant dense<0.000000e+00> : vector<1x2048xf32>
      %dot_general3A_59 = tpu.matmul %add3A_55, %get3A_58, %dot_general3A {dimension_numbers = #tpu.dot_dimension_numbers<[1], [1], [0], [0], [0, 0, 1, 0], [], []>, transpose_lhs_hint = false} : vector<1x256xf32>, vector<2048x256xf32>, vector<1x2048xf32> -> vector<1x2048xf32>
      %get3A_60 = arith.constant 0 : index
      %get3A_61 = arith.constant 0 : index
      %get3A_62 = vector.load %arg9[%get3A_60, %get3A_61] : memref<1x2048xf32, #tpu.memory_space<vmem>>, vector<1x2048xf32>
      %add3A_63 = arith.addf %dot_general3A_59, %get3A_62 : vector<1x2048xf32>
      %mul3A_64 = arith.mulf %add3A_63, %add3A_63 : vector<1x2048xf32>
      %reduce_sum3A_65 = arith.constant dense<0.000000e+00> : vector<1xf32>
      %reduce_sum3A_66 = vector.multi_reduction <add>, %mul3A_64, %reduce_sum3A_65 [1] : vector<1x2048xf32> to vector<1xf32>
      %broadcast_in_dim3A_67 = vector.shape_cast %reduce_sum3A_66 : vector<1xf32> to vector<1x1xf32>
      %sqrt3A = math.sqrt %broadcast_in_dim3A_67 : vector<1x1xf32>
      %max3A = arith.constant 9.99999996E-13 : f32
      %max3A_68 = vector.broadcast %max3A : f32 to vector<1x1xf32>
      %max3A_69 = arith.maximumf %sqrt3A, %max3A_68 : vector<1x1xf32>
      %div3A_70 = vector.broadcast %max3A_69 : vector<1x1xf32> to vector<1x2048xf32>
      %div3A_71 = arith.divf %add3A_63, %div3A_70 : vector<1x2048xf32>
      %get3A_72 = arith.constant 0 : index
      %get3A_73 = arith.constant 0 : index
      %get3A_74 = arith.constant 0 : index
      %get3A_75 = vector.load %arg4[%get3A_72, %get3A_73, %get3A_74] : memref<1x1x2048xf32, #tpu.memory_space<vmem>>, vector<1x1x2048xf32>
      %get3A_76 = vector.shape_cast %get3A_75 : vector<1x1x2048xf32> to vector<1x2048xf32>
      %mul3A_77 = arith.mulf %get3A_76, %get3A_76 : vector<1x2048xf32>
      %reduce_sum3A_78 = arith.constant dense<0.000000e+00> : vector<1xf32>
      %reduce_sum3A_79 = vector.multi_reduction <add>, %mul3A_77, %reduce_sum3A_78 [1] : vector<1x2048xf32> to vector<1xf32>
      %broadcast_in_dim3A_80 = vector.shape_cast %reduce_sum3A_79 : vector<1xf32> to vector<1x1xf32>
      %div3A_81 = arith.constant 2.048000e+03 : f32
      %div3A_82 = vector.broadcast %div3A_81 : f32 to vector<1x1xf32>
      %div3A_83 = arith.divf %broadcast_in_dim3A_80, %div3A_82 : vector<1x1xf32>
      %sqrt3A_84 = math.sqrt %div3A_83 : vector<1x1xf32>
      %mul3A_85 = arith.constant 3.000000e-01 : f32
      %mul3A_86 = vector.broadcast %mul3A_85 : f32 to vector<1x1xf32>
      %mul3A_87 = arith.mulf %sqrt3A_84, %mul3A_86 : vector<1x1xf32>
      %mul3A_88 = vector.broadcast %mul3A_87 : vector<1x1xf32> to vector<1x2048xf32>
      %mul3A_89 = arith.mulf %div3A_71, %mul3A_88 : vector<1x2048xf32>
      %add3A_90 = arith.addf %get3A_76, %mul3A_89 : vector<1x2048xf32>
      %swap3A_91 = arith.constant 0 : index
      %swap3A_92 = arith.index_cast %rem3A_18 : i32 to index
      %swap3A_93 = arith.constant 0 : index
      %swap3A_94 = vector.load %arg10[%swap3A_91, %swap3A_92, %swap3A_93] : memref<1x1024x2048xf32, #tpu.memory_space<vmem>>, vector<1x1x2048xf32>
      %swap3A_95 = vector.shape_cast %swap3A_94 : vector<1x1x2048xf32> to vector<1x2048xf32>
      %swap3A_96 = vector.shape_cast %add3A_90 : vector<1x2048xf32> to vector<1x1x2048xf32>
      tpu.vector_store %arg10[%swap3A_91, %swap3A_92, %swap3A_93], %swap3A_96 {strides = array<i32>} : memref<1x1024x2048xf32, #tpu.memory_space<vmem>>, vector<1x1x2048xf32>,
    } else {
    }
    return
  }
  func.func @transform_0(%arg0: i32, %arg1: i32, %arg2: memref<4xi32, #tpu.memory_space<smem>>) -> (i32, i32, i32) {
    %c0_i32 = arith.constant 0 : i32
    %c0_i32_0 = arith.constant 0 : i32
    return %arg0, %arg1, %c0_i32 : i32, i32, i32
  }
  func.func @transform_1(%arg0: i32, %arg1: i32, %arg2: memref<4xi32, #tpu.memory_space<smem>>) -> (i32, i32, i32) {
    %c0_i32 = arith.constant 0 : i32
    %c0_i32_0 = arith.constant 0 : i32
    %c0_i32_1 = arith.constant 0 : i32
    return %arg0, %c0_i32, %c0_i32_0 : i32, i32, i32
  }
  func.func @transform_2(%arg0: i32, %arg1: i32, %arg2: memref<4xi32, #tpu.memory_space<smem>>) -> (i32, i32, i32) {
    %c0_i32 = arith.constant 0 : i32
    %c0_i32_0 = arith.constant 0 : i32
    %c0_i32_1 = arith.constant 0 : i32
    return %arg0, %c0_i32, %c0_i32_0 : i32, i32, i32
  }
  func.func @transform_3(%arg0: i32, %arg1: i32, %arg2: memref<4xi32, #tpu.memory_space<smem>>) -> (i32, i32) {
    %c0_i32 = arith.constant 0 : i32
    %c0_i32_0 = arith.constant 0 : i32
    %c0_i32_1 = arith.constant 0 : i32
    return %c0_i32, %c0_i32_0 : i32, i32
  }
  func.func @transform_4(%arg0: i32, %arg1: i32, %arg2: memref<4xi32, #tpu.memory_space<smem>>) -> (i32, i32) {
    %c0_i32 = arith.constant 0 : i32
    %c0_i32_0 = arith.constant 0 : i32
    %c0_i32_1 = arith.constant 0 : i32
    return %c0_i32, %c0_i32_0 : i32, i32
  }
  func.func @transform_5(%arg0: i32, %arg1: i32, %arg2: memref<4xi32, #tpu.memory_space<smem>>) -> (i32, i32) {
    %c0_i32 = arith.constant 0 : i32
    %c0_i32_0 = arith.constant 0 : i32
    %c0_i32_1 = arith.constant 0 : i32
    return %c0_i32, %c0_i32_0 : i32, i32
  }
  func.func @transform_6(%arg0: i32, %arg1: i32, %arg2: memref<4xi32, #tpu.memory_space<smem>>) -> (i32, i32) {
    %c0_i32 = arith.constant 0 : i32
    %c0_i32_0 = arith.constant 0 : i32
    %c0_i32_1 = arith.constant 0 : i32
    return %c0_i32, %c0_i32_0 : i32, i32
  }
  func.func @transform_7(%arg0: i32, %arg1: i32, %arg2: memref<4xi32, #tpu.memory_space<smem>>) -> (i32, i32, i32) {
    %c0_i32 = arith.constant 0 : i32
    %c0_i32_0 = arith.constant 0 : i32
    return %arg0, %arg1, %c0_i32 : i32, i32, i32
  }
}

</mosaic_0001>

<sc_bundles>
// kernel: kernel.4.cloned.1.call-start
scs
__scs_entry_jumppad:
0x0: {  	(pc) =	sbr.rel $0x88, $3  }
0x1: {  	(tag) =	ssettag $0x0;
	lr =	simm.s32 $0x1  }
0x2: {  	[smem:$0x3F9A] =	sst lr;
	_ =	strace $0xD0000000  }
0x3: {  	_ = 	snop  }
0x4: {  	_ = 	snop  }
0x5: {  	_ = 	snop  }
0x6: {  	_ = 	snop  }
0x7: {  	_ = 	snop  }
__scs_overlays_trampoline_lowered:
0x8: {  	[smem:$0x3FA9] =	sst s0  }
0x9: {  	[smem:$0x3FAA] =	sst s1  }
0xa: {  	[smem:$0x3FAB] =	sst s2  }
0xb: {  	[smem:$0x3FAC] =	sst s3  }
0xc: {  	[smem:$0x3FAD] =	sst s4  }
0xd: {  	[smem:$0x3FAE] =	sst s5  }
0xe: {  	[smem:$0x3FAF] =	sst s6  }
0xf: {  	[smem:$0x3FB0] =	sst s7  }
0x10: {  	[smem:$0x3FB1] =	sst s8  }
0x11: {  	[smem:$0x3FB2] =	sst s9;
	s0 =	simm.s32 @!p0 $0x0  }
0x12: {  	s1 =	sld [smem:$0x3F98];
	s0 =	simm.s32 @p0 $0x1  }
0x13: {  	[smem:$0x3FB3] =	sst s0;
	s0 =	simm.s32 @!p1 $0x0  }
0x14: {  	s2 =	sld [smem:$0x3F97];
	s0 =	simm.s32 @p1 $0x1  }
0x15: {  	[smem:$0x3FB4] =	sst s0;
	s0 =	simm.s32 @!p2 $0x0  }
0x16: {  	s3 =	sld [smem:$0x3FDB];
	s0 =	simm.s32 @p2 $0x1  }
0x17: {  	s4 =	simm.s32 $0x1BF5;
	[smem:$0x3FB6] =	sst s0  }
0x18: {  	s0 =	sld [smem:$0x3F99];
	_ =	swait.ge [sflag:s4], $0x0  }
0x19: {  	s7 =	sld [smem:$0x3F9A]  }
0x1a: {  	s8 =	sadd.s32 $0xFFFFE003, lr  }
0x1b: {  	s9 =	sadd.s32 $0xFFFFFEF7, lr;
	s5 =	simm.s32 $0xFFFFFFFF;
	p2 =	slt.u32 s8, $0xFFFFF086  }
0x1c: {  	p1 =	slt.u32 s9, $0xF7A;
	s5 =	simm.s32 @!p2 $0x0  }
0x1d: {  	s5 =	simm.s32 @p1 $0x1;
	p0 =	seq.s32 s7, s2  }
0x1e: {  	s7 =	smul.u32 @!p0 $0xF7A, s2;
	p2 =	seq.s32 @!p0 s5, $0x0  }
0x1f: {  	s9 =	smul.u32 $0xF7A, s1;
	s8 =	simm.s32 @!p0 $0x1BF5;
	p2 =	por !p2, p0  }
0x20: {  	[sflag:s8] =	ssyncset.s32 @!p0 $0xFFFFF086;
	s6 =	sadd.s32 @!p0 s3, s7;
	s7 =	simm.s32 @!p0 $0x108  }
0x21: {  	s3 =	sadd.s32 s3, s9;
	s6 =	sadd.s32 @!p0 $0x88, s6;
	s7 =	simm.s32 @p2 $0x1082  }
0x22: {  	[simem:s7], [sflag:s8] =	dma.local @!p0 [hbm:s6], $0xF7A  }
0x23: {  	s9 =	sor.u32 $0xD0000000, s2;
	s6 =	simm.s32 $0x108;
	_ =	swait.ge @!p0 [sflag:s8], $0x0  }
0x24: {  	s3 =	sadd.s32 $0x88, s3;
	s6 =	simm.s32 @!p1 $0x1082;
	[sflag:s4] =	ssyncset.s32 $0xFFFFF086  }
0x25: {  	[simem:s6], [sflag:s4] =	dma.local [hbm:s3], $0xF7A  }
0x26: {  	[smem:$0x3F9A] =	sst s1;
	(tag) =	ssettag s2;
	_ =	strace s9  }
0x27: {  	s1 =	sld [smem:$0x3FAA]  }
0x28: {  	s2 =	sld [smem:$0x3FAB]  }
0x29: {  	s4 =	sld [smem:$0x3FAD]  }
0x2a: {  	p0 =	seq.s32 s5, $0x0;
	s5 =	sld [smem:$0x3FAE]  }
0x2b: {  	s6 =	sld [smem:$0x3FAF]  }
0x2c: {  	s7 =	sld [smem:$0x3FB0]  }
0x2d: {  	s3 =	simm.s32 $0x108;
	s8 =	sld [smem:$0x3FB1]  }
0x2e: {  	s3 =	simm.s32 @!p0 $0x1082;
	s9 =	sld [smem:$0x3FB2]  }
0x2f: {  	lr =	sadd.s32 s0, s3;
	s0 =	sld [smem:$0x3FA9]  }
0x30: {  	s3 =	sld [smem:$0x3FAC]  }
0x31: {  	[smem:$0x3FB5] =	sst s10  }
0x32: {  	s10 =	sld [smem:$0x3FB3];
	_ =	sdelay $0x3  }
0x33: {  	p0 =	seq.s32 s10, $0x1;
	s10 =	sld [smem:$0x3FB5];
	_ =	sdelay $0x3  }
0x34: {  	[smem:$0x3FB5] =	sst s10  }
0x35: {  	s10 =	sld [smem:$0x3FB4];
	_ =	sdelay $0x3  }
0x36: {  	p1 =	seq.s32 s10, $0x1;
	s10 =	sld [smem:$0x3FB5];
	_ =	sdelay $0x3  }
0x37: {  	[smem:$0x3FB5] =	sst s10  }
0x38: {  	s10 =	sld [smem:$0x3FB6]  }
0x39: {  	_ = 	snop;
	(pc) =	sbr.ind lr, $3  }
0x3a: {  	_ = 	snop  }
0x3b: {  	_ = 	snop  }
0x3c: {  	p2 =	seq.s32 s10, $0x1;
	s10 =	sld [smem:$0x3FB5]  }
0x3d: {  	_ =	shalt  }
0x3e: {  	_ =	shalt  }
0x3f: {  	_ =	shalt  }
0x40: {  	_ =	shalt  }
0x41: {  	_ =	shalt  }
0x42: {  	_ =	shalt  }
0x43: {  	_ =	shalt  }
0x44: {  	_ =	shalt  }
0x45: {  	_ =	shalt  }
0x46: {  	_ =	shalt  }
0x47: {  	_ =	shalt  }
0x48: {  	_ =	shalt  }
0x49: {  	_ =	shalt  }
0x4a: {  	_ =	shalt  }
0x4b: {  	_ =	shalt  }
0x4c: {  	_ =	shalt  }
0x4d: {  	_ =	shalt  }
0x4e: {  	_ =	shalt  }
0x4f: {  	_ =	shalt  }
0x50: {  	_ =	shalt  }
0x51: {  	_ =	shalt  }
0x52: {  	_ =	shalt  }
0x53: {  	_ =	shalt  }
0x54: {  	_ =	shalt  }
0x55: {  	_ =	shalt  }
0x56: {  	_ =	shalt  }
0x57: {  	_ =	shalt  }
0x58: {  	_ =	shalt  }
0x59: {  	_ =	shalt  }
0x5a: {  	_ =	shalt  }
0x5b: {  	_ =	shalt  }
0x5c: {  	_ =	shalt  }
0x5d: {  	_ =	shalt  }
0x5e: {  	_ =	shalt  }
0x5f: {  	_ =	shalt  }
0x60: {  	_ =	shalt  }
0x61: {  	_ =	shalt  }
0x62: {  	_ =	shalt  }
0x63: {  	_ =	shalt  }
0x64: {  	_ =	shalt  }
0x65: {  	_ =	shalt  }
0x66: {  	_ =	shalt  }
0x67: {  	_ =	shalt  }
0x68: {  	_ =	shalt  }
0x69: {  	_ =	shalt  }
0x6a: {  	_ =	shalt  }
0x6b: {  	_ =	shalt  }
0x6c: {  	_ =	shalt  }
0x6d: {  	_ =	shalt  }
0x6e: {  	_ =	shalt  }
0x6f: {  	_ =	shalt  }
0x70: {  	_ =	shalt  }
0x71: {  	_ =	shalt  }
0x72: {  	_ =	shalt  }
0x73: {  	_ =	shalt  }
0x74: {  	_ =	shalt  }
0x75: {  	_ =	shalt  }
0x76: {  	_ =	shalt  }
0x77: {  	_ =	shalt  }
0x78: {  	_ =	shalt  }
0x79: {  	_ =	shalt  }
0x7a: {  	_ =	shalt  }
0x7b: {  	_ =	shalt  }
0x7c: {  	_ =	shalt  }
0x7d: {  	_ =	shalt  }
0x7e: {  	_ =	shalt  }
0x7f: {  	_ =	shalt  }
0x80: {  	_ =	shalt  }
0x81: {  	_ =	shalt  }
0x82: {  	_ =	shalt  }
0x83: {  	_ =	shalt  }
0x84: {  	_ =	shalt  }
0x85: {  	_ =	shalt  }
0x86: {  	_ =	shalt  }
0x87: {  	_ =	shalt  }
.Lfunc_end0:
.L_simem_size_0:
called_computation_lowered:
.L_overlay_start_0:
0x88: {  	s2 =	sld [smem:$0x3FD9]  }
0x89: {  	s3 =	sld [smem:$0x3FFE];
	_ =	sdelay $0x1  }
0x8a: {  	s1 =	srdreg.scid  }
0x8b: {  	s0 =	sand.u32 $0x1, s1  }
0x8c: {  	s17 =	sshll.u32 s0, $0xA;
	s2 =	sadd.s32 s3, s2  }
0x8d: {  	s2 =	sadd.s32 s2, s17  }
0x8e: {  	[smem:$0x3FC1] =	sst s2  }
0x8f: {  	_ = 	snop  }
0x90: {  	s2 =	sld [smem:$0x3FC9]  }
0x91: {  	s18 =	sld [smem:$0x3FD0];
	(tm) =	ssettm $0x1  }
0x92: {  	s4 =	sld [smem:$0x3FFB];
	_ =	sdelay $0x3  }
0x93: {  	_ =	strace s4  }
0x94: {  	s4 =	sld [smem:$0x3FFC];
	_ =	sdelay $0x3  }
0x95: {  	_ =	strace s4  }
0x96: {  	s4 =	sld [smem:$0x3FFD];
	_ =	sdelay $0x3  }
0x97: {  	_ =	strace s4  }
0x98: {  	_ =	strace $0x8FFFFFFF  }
0x99: {  	s19 =	sld [smem:$0x3FDB];
	_ =	sdelay $0x1  }
0x9a: {  	s5 =	simm.s32 $_scs_section_size  }
0x9b: {  	s6 =	simm.s32 $_size__tile_overlayer_lowered;
	s7 =	simm.s32 $_tile_overlayer_lowered  }
0x9c: {  	s22 =	simm.s32 $0x1BFF;
	s21 =	sshll.u32 s7, $0x1;
	s4 =	sadd.s32 s5, s19  }
0x9d: {  	s8 =	simm.s32 $0x0;
	s20 =	sshll.u32 s6, $0x1;
	s6 =	sadd.s32 s21, s4  }
0x9e: {  	[timem:s8], [sflag:s22] =	dma.local [hbm:s6], s20  }
0x9f: {  	_ =	swait.ge [sflag:s22], s20  }
0xa0: {  	s5 =	ssub.s32 $0x0, s20;
	[sflag:s22] =	ssyncset.done $0x0  }
0xa1: {  	[sflag:s22] =	ssyncadd.s32 s5;
	_ =	sdelay $0x1  }
0xa2: {  	s23 =	simm.s32 $0x1B8B  }
0xa3: {  	_ =	swait.ge [sflag:s23], $0x1  }
0xa4: {  	[sflag:s23] =	ssyncset.done $0x0  }
0xa5: {  	s25 =	simm.s32 $0x1B8E;
	s24 =	sld [smem:$0x3FFE];
	[sflag:s23] =	ssyncadd.s32 $0xFFFFFFFF  }
0xa6: {  	s26 =	simm.s32 $execute0_lowered;
	[smem:$0x3FD2] =	sst s25  }
0xa7: {  	s6 =	sshll.u32 s26, $0x1;
	_ =	strace $0x80000046;
	[dreg:$0x1] =	wrdreg $0xFFFFFFFF  }
0xa8: {  	s28 =	simm.s32 $_size_execute0_lowered;
	s4 =	sadd.s32 s4, s6;
	[dreg:$0x0] =	wrdreg $0x0  }
0xa9: {  	s6 =	sshll.u32 s28, $0x1;
	[dreg:$0x2] =	wrdreg s4  }
0xaa: {  	[dreg:$0x3] =	wrdreg s6  }
0xab: {  	[dreg:$0x4] =	wrdreg $0xC0  }
0xac: {  	_ =	task [dreg:s8], $0x5FFFF  }
0xad: {  	[dreg:$0x1] =	wrdreg $0xFFFFFFFF  }
0xae: {  	[dreg:$0x0] =	wrdreg $0x60  }
0xaf: {  	[dreg:$0x2] =	wrdreg s2  }
0xb0: {  	[dreg:$0x3] =	wrdreg s24  }
0xb1: {  	[dreg:$0x4] =	wrdreg s18  }
0xb2: {  	[dreg:$0x5] =	wrdreg $0x9  }
0xb3: {  	_ =	task.clear_ibuf [dreg:s8], $0x6FFFF;
	_ =	strace $0x90000046  }
0xb4: {  	s29 =	simm.s32 $0x9;
	_ =	strace $0x80000048  }
0xb5: {  	_ =	swait.ge [sflag:s29], $0x1  }
0xb6: {  	[sflag:s29] =	ssyncadd.s32 $0xFFFFFFFF  }
0xb7: {  	_ =	strace $0x90000048  }
0xb8: {  	_ =	sfence  }
0xb9: {  	s30 =	sld [smem:$0x0];
	_ =	sdelay $0x2  }
0xba: {  	s31 =	sshll.u32 s1, $0xD;
	s1 =	sshrl.u32 s1, $0x2  }
0xbb: {  	s3 =	sand.u32 $0x4000, s31;
	s1 =	sadd.s32 s1, s30  }
0xbc: {  	s0 =	sor.u32 s3, s0;
	s1 =	sshll.u32 s1, $0x11  }
0xbd: {  	s0 =	sor.u32 s1, s0  }
0xbe: {  	s0 =	sadd.s32 $0x8F2B, s0  }
0xbf: {  	[sflag:s0] =	ssyncadd.remote.s32 $0x1  }
0xc0: {  	_ =	sfence.sel $0xFFFF  }
0xc1: {  	[dreg:$0x0] =	wrdreg $0xFFFFFFFF;
	(pc) =	sbr.abs _section_cstart, $3  }
0xc2: {  	[dreg:$0x1] =	wrdreg $0xFFFFFFFF  }
0xc3: {  	_ =	task.clear_ibuf [dreg:s8], $0x2FFFF;
	_ =	strace $0x9FFFFFFF  }
0xc4: {  	(tm) =	ssettm $0x7FFFFFFF  }
0xc5: {  	_ =	shalt  }
tec
execute0_lowered:
.L_overlay_start_1:
0x0: {  	(tag) =	ssettag $0x1  }
0x1: {  	s0 =	srdreg.scid  }
0x2: {  	s13 =	sand.u32 $0x1, s0;
	s0 =	stileid.u32  }
0x3: {  	s5 =	sshll.u32 s0, $0x1;
	s6 =	ssub.s32 $0x0, s13  }
0x4: {  	p0 =	sne.s32 s5, s6  }
.Ltmp0:
0x5: {  	_ = 	snop;
	(pc) =	sbr.rel @p0 .LBB2_4-.Ltmp0, $4  }
0x6: {  	s2 =	rddreg [dreg:$0x0]  }
0x7: {  	s4 =	rddreg [dreg:$0x1]  }
0x8: {  	s3 =	rddreg [dreg:$0x2]  }
0x9: {  	s1 =	rddreg [dreg:$0x3];
	_ =	strace $0x80000047  }
0xa: {  	s4 =	sadd.s32 $0x1000, s4;
	s6 =	simm.s32 $0x0;
	s5 =	simm.s32 $0x2  }
0xb: {  	[tilespmem:s6], [sflag:$0x2] =	stream.linear.gather [hbm4b:s4+s6], $0x80, $0x38;
	[tilespmem:$0x2080] =	vst v63  }
0xc: {  	_ =	swait.ge [sflag:s5], $0x80  }
0xd: {  	[sflag:s5] =	ssyncset.done $0x0  }
0xe: {  	[sflag:s5] =	ssyncadd.s32 $0xFFFFFF80  }
0xf: {  	v0 =	vld.msk [tilespmem:$0x0], $0xf;
	_ =	sdelay $0x4  }
0x10: {  	v1 =	vshll.u32 v0, $0x4  }
0x11: {  	v2 =	vlaneseq.u32;
	v3 =	vand.u32 $0x7, v0;
	v1 =	vand.u32 $0xFFFFFF80, v1  }
0x12: {  	v0 =	vand.u32 $0x3, v2;
	v2 =	vshrl.u32 v2, $0x2;
	v3 =	vor.u32 v3, v1  }
0x13: {  	v1 =	vmul.u32 $0x8, v2;
	v2 =	vperm.xlane v3, v0;
	_ =	sdelay $0x1  }
0x14: {  	v2 =	vadd.s32 v1, v2;
	_ =	sdelay $0x3  }
0x15: {  	vm0 =	vmmov $0xffff;
	s7 =	simm.s32 $0x80;
	s8 =	sadd.s32 $0x200, s2;
	s15 =	ssub.s32 $0x2, s13  }
0x16: {  	[tilespmem:s7], [sflag:$0x1] =	stream.indirect_vreg.gather [hbm4b:s2+s6], $0x80, v2, vm0, $0xb8;
	[tilespmem:$0x2080] =	vst v63  }
0x17: {  	s9 =	simm.s32 $0x880;
	s10 =	sadd.s32 $0x400, s2;
	s16 =	sshrl.u32 s15, $0x1  }
0x18: {  	[tilespmem:s9], [sflag:$0x1] =	stream.indirect_vreg.gather [hbm4b:s8+s6], $0x80, v2, vm0, $0xb8;
	[tilespmem:$0x2080] =	vst v63  }
0x19: {  	s11 =	sadd.s32 $0x600, s2;
	s12 =	simm.s32 $0x1080;
	s15 =	ssub.s32 s15, s16  }
0x1a: {  	[tilespmem:s12], [sflag:$0x1] =	stream.indirect_vreg.gather [hbm4b:s10+s6], $0x80, v2, vm0, $0xb8;
	[tilespmem:$0x2080] =	vst v63  }
0x1b: {  	s13 =	simm.s32 $0x1880;
	s14 =	simm.s32 $0x1;
	s15 =	smax.u32 s15, $0x1  }
0x1c: {  	[tilespmem:s13], [sflag:$0x1] =	stream.indirect_vreg.gather [hbm4b:s11+s6], $0x80, v2, vm0, $0xb8;
	[tilespmem:$0x2080] =	vst v63  }
0x1d: {  	p0 =	sne.s32 s15, $0x1;
	_ =	swait.ge [sflag:s14], $0x2000  }
.Ltmp1:
0x1e: {  	[sflag:s14] =	ssyncset.done $0x0;
	(pc) =	sbr.rel @!p0 .LBB2_3-.Ltmp1, $4  }
0x1f: {  	[sflag:s14] =	ssyncadd.s32 $0xFFFFE000  }
0x20: {  	[hbm4b:s3+s6] =	stream.linear.scatter [tilespmem:s7], [sflag:$0x2], $0x2000, $0x38;
	[tilespmem:$0x2080] =	vst v63  }
0x21: {  	_ =	swait.ge [sflag:s5], $0x2000  }
0x22: {  	s15 =	sadd.s32 $0xFFFFFFFF, s15;
	[sflag:s5] =	ssyncset.done $0x0  }
.LBB2_2:
0x23: {  	p0 =	sne.s32 s15, $0x1;
	s15 =	sadd.s32 $0xFFFFFFFF, s15;
	[sflag:s5] =	ssyncadd.s32 $0xFFFFE000  }
0x24: {  	[tilespmem:s6], [sflag:$0x2] =	stream.linear.gather [hbm4b:s4+s6], $0x80, $0x38;
	[tilespmem:$0x2080] =	vst v63  }
0x25: {  	_ =	swait.ge [sflag:s5], $0x80  }
0x26: {  	[sflag:s5] =	ssyncset.done $0x0  }
0x27: {  	[sflag:s5] =	ssyncadd.s32 $0xFFFFFF80  }
0x28: {  	v2 =	vld.msk [tilespmem:$0x0], $0xf;
	_ =	sdelay $0x4  }
0x29: {  	v3 =	vshll.u32 v2, $0x4  }
0x2a: {  	v2 =	vand.u32 $0x7, v2;
	v3 =	vand.u32 $0xFFFFFF80, v3  }
0x2b: {  	v2 =	vor.u32 v2, v3  }
0x2c: {  	v2 =	vperm.xlane v2, v0;
	_ =	sdelay $0x1  }
0x2d: {  	v2 =	vadd.s32 v1, v2;
	_ =	sdelay $0x4  }
0x2e: {  	[tilespmem:s7], [sflag:$0x1] =	stream.indirect_vreg.gather [hbm4b:s2+s6], $0x80, v2, vm0, $0xb8;
	[tilespmem:$0x2080] =	vst v63  }
0x2f: {  	_ = 	snop  }
0x30: {  	[tilespmem:s9], [sflag:$0x1] =	stream.indirect_vreg.gather [hbm4b:s8+s6], $0x80, v2, vm0, $0xb8;
	[tilespmem:$0x2080] =	vst v63  }
0x31: {  	_ = 	snop  }
0x32: {  	[tilespmem:s12], [sflag:$0x1] =	stream.indirect_vreg.gather [hbm4b:s10+s6], $0x80, v2, vm0, $0xb8;
	[tilespmem:$0x2080] =	vst v63  }
0x33: {  	_ = 	snop  }
0x34: {  	[tilespmem:s13], [sflag:$0x1] =	stream.indirect_vreg.gather [hbm4b:s11+s6], $0x80, v2, vm0, $0xb8;
	[tilespmem:$0x2080] =	vst v63  }
0x35: {  	_ =	swait.ge [sflag:s14], $0x2000  }
.Ltmp2:
0x36: {  	[sflag:s14] =	ssyncset.done $0x0;
	(pc) =	sbr.rel @p0 .LBB2_2-.Ltmp2, $4  }
0x37: {  	[sflag:s14] =	ssyncadd.s32 $0xFFFFE000  }
0x38: {  	[hbm4b:s3+s6] =	stream.linear.scatter [tilespmem:s7], [sflag:$0x2], $0x2000, $0x38;
	[tilespmem:$0x2080] =	vst v63  }
0x39: {  	_ =	swait.ge [sflag:s5], $0x2000  }
0x3a: {  	[sflag:s5] =	ssyncset.done $0x0  }
.LBB2_3:
0x3b: {  	[sflag:s5] =	ssyncadd.s32 $0xFFFFE000  }
.LBB2_4:
0x3c: {  	_ =	sfence.sel $0x180000  }
0x3d: {  	[bflag:$0x0] =	sbarrier.arrive $0xFFFF  }
0x3e: {  	p0 =	sne.s32 s0, $0x0;
	_ =	strace $0x90000047  }
0x3f: {  	s0 =	sadd.s32 @!p0 $0x100000, s1;
	[bflag:$0x2] =	sbarrier.arrive $0xFFFF  }
0x40: {  	[sflag:s0] =	ssyncadd.tile.s32 @!p0 $0x1;
	_ =	shalt  }
.Lfunc_end2:
_tile_overlayer_lowered:
.L_overlay_start_2:
0x41: {  	(tag) =	ssettag $0x2  }
0x42: {  	s0 =	rddreg [dreg:$0x0];
	s2 =	stileid.u32  }
0x43: {  	s1 =	rddreg [dreg:$0x1];
	p0 =	sne.s32 s2, $0x0  }
0x44: {  	s3 =	rddreg [dreg:$0x2];
	[bflag:$0x3] =	sbarrier.arrive $0xFFFF;
	s2 =	simm.s32 @!p0 $0x1C02  }
0x45: {  	[timem:s3], [sflag:s2] =	dma.local @!p0 [hbm:s0], s1  }
0x46: {  	s0 =	simm.s32 @!p0 $0x2  }
0x47: {  	_ =	swait.ge @!p0 [sflag:s0], s1  }
0x48: {  	s1 =	ssub.s32 @!p0 $0x0, s1;
	[sflag:s0] =	ssyncset.done @!p0 $0x0  }
0x49: {  	[sflag:s0] =	ssyncadd.s32 @!p0 s1  }
0x4a: {  	[bflag:$0x3] =	sbarrier.arrive $0xFFFF  }
0x4b: {  	_ =	shalt  }

</sc_bundles>
